<compile_context>
chip_gen: v7x
topology: tpu7x:2x2x1
jax: 0.10.2.dev20260603
libtpu: 0.0.44.dev20260713+nightly
codegen_flags: <defaults>
</compile_context>

<pallas_src>
import functools

import jax
import jax.numpy as jnp
from jax import lax
from jax.experimental import pallas as pl
from jax.experimental.pallas import tpu as pltpu
from jax.experimental.pallas import tpu_sc as plsc

NUM_CORES = 2
NUM_SUBCORES = 16
NUM_WORKERS = NUM_CORES * NUM_SUBCORES
LANES = 16


def _make_kernel(B, V, D):
    b_per_w = B // NUM_WORKERS
    n_el = b_per_w * D
    n_vec = n_el // LANES
    n_out = 2 * n_el
    mesh = plsc.VectorSubcoreMesh(core_axis_name="c", subcore_axis_name="s")

    @functools.partial(
        pl.kernel,
        mesh=mesh,
        out_type=jax.ShapeDtypeStruct((NUM_WORKERS, n_out), jnp.float32),
        compiler_params=pltpu.CompilerParams(use_tc_tiling_on_sc=False,
                                             needs_layout_passes=False),
        scratch_types=[
            pltpu.VMEM((b_per_w,), jnp.int32),
            pltpu.VMEM((n_el,), jnp.int32),
            pltpu.VMEM((n_out,), jnp.int32),
            pltpu.VMEM((n_out,), jnp.float32),
            pltpu.VMEM((n_out,), jnp.float32),
            pltpu.SemaphoreType.DMA,
        ],
    )
    def k(idx_hbm, perm_hbm, start_hbm, end_hbm, out_hbm,
          idx_v, eidx_v, perm_v, g_v, o_v, sem):
        wid = lax.axis_index("s") * NUM_CORES + lax.axis_index("c")
        pltpu.sync_copy(idx_hbm.at[wid], idx_v)
        cp_perm = pltpu.async_copy(perm_hbm, perm_v, sem)

        lane = lax.iota(jnp.int32, LANES)

        @plsc.parallel_loop(0, n_vec, unroll=8)
        def expand(i):
            p = i * LANES + lane
            pose = p // D
            c = p - pose * D
            ids = plsc.load_gather(idx_v, [pose])
            eidx_v[pl.ds(i * LANES, LANES)] = ids * D + c

        sl = pl.ds(0, n_el)
        g1 = pltpu.async_copy(start_hbm.at[eidx_v.at[sl]], g_v.at[sl], sem)
        g2 = pltpu.async_copy(end_hbm.at[eidx_v.at[sl]],
                              g_v.at[pl.ds(n_el, n_el)], sem)
        cp_perm.wait()
        g1.wait()
        g2.wait()

        @plsc.parallel_loop(0, n_out // LANES, unroll=8)
        def interleave(i):
            sl2 = pl.ds(i * LANES, LANES)
            pq = perm_v[sl2]
            o_v[sl2] = plsc.load_gather(g_v, [pq])

        pltpu.sync_copy(o_v, out_hbm.at[wid])

    return k


def kernel(indices, start_table, end_table):
    B = indices.shape[0]
    V, D = start_table.shape
    b_per_w = B // NUM_WORKERS
    n_el = b_per_w * D
    idx2d = indices.astype(jnp.int32).reshape(NUM_WORKERS, b_per_w)
    q = jnp.arange(2 * n_el, dtype=jnp.int32)
    k_, c_ = q // (2 * D), q % (2 * D)
    perm = jnp.where(c_ < D, D * k_ + c_, n_el + D * k_ + (c_ - D))
    out8 = _make_kernel(B, V, D)(idx2d, perm,
                                 start_table.reshape(-1),
                                 end_table.reshape(-1))
    return out8.reshape(B, 2 * D)

# --- scband reference (transcript-rebuilt; emitter-appended) ---
"""Pipeline reference for scband-se3-90683939488506 (READ-ONLY COPY).

The authoritative reference and input builder live on the scoring server;
editing this copy changes nothing except your own understanding.
"""

import jax, jax.numpy as jnp
import numpy as np

POSES_NUM = 100000
EMB_DIM = 6
BATCH = 16384


def setup_inputs(seed: int = 0) -> dict:
    key = jax.random.key(seed)
    k_idx, k_start, k_end = jax.random.split(key, 3)
    indices = jax.random.randint(k_idx, (BATCH,), 0, POSES_NUM, dtype=jnp.int64 if jax.config.jax_enable_x64 else jnp.int32)
    start_table = jax.random.normal(k_start, (POSES_NUM, EMB_DIM), dtype=jnp.float32)
    end_table = jax.random.normal(k_end, (POSES_NUM, EMB_DIM), dtype=jnp.float32)
    return {"indices": indices, "start_table": start_table, "end_table": end_table}


def reference(indices, start_table, end_table):
    # SE3 pose-refinement embedding lookup: gather the 6-DoF start and end
    # tangent vectors for each queried pose id.
    start = jnp.take(start_table, indices, axis=0)   # [B, 6]
    end = jnp.take(end_table, indices, axis=0)       # [B, 6]
    return jnp.concatenate([start, end], axis=-1)    # [B, 12]

if __name__ == "__main__":
    import jax
    _d = setup_inputs()
    print(jax.jit(kernel)(*tuple(_d.values())))

</pallas_src>

<mosaic_0001>
#map = affine_map<(d0, d1) -> (0, 0)>
#map1 = affine_map<(d0, d1) -> (0)>
module attributes {stable_mosaic.version = 14 : i64} {
  func.func @k(%arg0: i32, %arg1: i32, %arg2: memref<32x512xi32, #tpu.memory_space<hbm>>, %arg3: memref<6144xi32, #tpu.memory_space<hbm>>, %arg4: memref<600000xf32, #tpu.memory_space<hbm>>, %arg5: memref<600000xf32, #tpu.memory_space<hbm>>, %arg6: memref<32x6144xf32, #tpu.memory_space<hbm>>, %arg7: memref<512xi32, #tpu.memory_space<vmem>>, %arg8: memref<3072xi32, #tpu.memory_space<vmem>>, %arg9: memref<6144xi32, #tpu.memory_space<vmem>>, %arg10: memref<6144xf32, #tpu.memory_space<vmem>>, %arg11: memref<6144xf32, #tpu.memory_space<vmem>>, %arg12: memref<!tpu.dma_semaphore, #tpu.memory_space<semaphore_mem>>) attributes {dimension_semantics = [#tpu.dimension_semantics<core_parallel>, #tpu.dimension_semantics<subcore_parallel>], iteration_bounds = array<i64: 2, 16>, scalar_prefetch = 0 : i64, scratch_operands = 6 : i64, tpu.core_type = #tpu.core_type<sc_vector_subcore>, window_params = [{transform_indices = #map}, {transform_indices = #map1}, {transform_indices = #map1}, {transform_indices = #map1}, {transform_indices = #map}]} {
    %mul3A = arith.constant 2 : i32
    %mul3A_0 = arith.muli %arg1, %mul3A : i32
    %add3A = arith.addi %mul3A_0, %arg0 : i32
    "tpu.region"() ({
      %run_scoped3A = tpu.sem_alloc : memref<!tpu.dma_semaphore, #tpu.memory_space<semaphore_mem>>
      %dma_start3A_28 = arith.constant 0 : i32
      %dma_start3A_29 = tpu.memref_slice %arg2[%add3A, %dma_start3A_28] : memref<32x512xi32, #tpu.memory_space<hbm>> -> memref<1x512xi32, #tpu.memory_space<hbm>>
      %dma_start3A_30 = tpu.memref_squeeze %dma_start3A_29 : memref<1x512xi32, #tpu.memory_space<hbm>> -> memref<512xi32, #tpu.memory_space<hbm>>
      %dma_start3A_31 = arith.constant 0 : i32
      %dma_start3A_32 = tpu.memref_slice %arg2[%add3A, %dma_start3A_31] : memref<32x512xi32, #tpu.memory_space<hbm>> -> memref<1x512xi32, #tpu.memory_space<hbm>>
      %dma_start3A_33 = tpu.memref_squeeze %dma_start3A_32 : memref<1x512xi32, #tpu.memory_space<hbm>> -> memref<512xi32, #tpu.memory_space<hbm>>
      tpu.enqueue_dma source(%dma_start3A_33 : memref<512xi32, #tpu.memory_space<hbm>>) target(%arg7 : memref<512xi32, #tpu.memory_space<vmem>>) target_semaphore(%run_scoped3A : memref<!tpu.dma_semaphore, #tpu.memory_space<semaphore_mem>>)
      %dma_wait3A_34 = arith.constant 0 : i32
      %dma_wait3A_35 = tpu.memref_slice %arg2[%add3A, %dma_wait3A_34] : memref<32x512xi32, #tpu.memory_space<hbm>> -> memref<1x512xi32, #tpu.memory_space<hbm>>
      %dma_wait3A_36 = tpu.memref_squeeze %dma_wait3A_35 : memref<1x512xi32, #tpu.memory_space<hbm>> -> memref<512xi32, #tpu.memory_space<hbm>>
      %dma_wait3A_37 = arith.constant 0 : i32
      %dma_wait3A_38 = tpu.memref_slice %arg2[%add3A, %dma_wait3A_37] : memref<32x512xi32, #tpu.memory_space<hbm>> -> memref<1x512xi32, #tpu.memory_space<hbm>>
      %dma_wait3A_39 = tpu.memref_squeeze %dma_wait3A_38 : memref<1x512xi32, #tpu.memory_space<hbm>> -> memref<512xi32, #tpu.memory_space<hbm>>
      tpu.wait_dma2 semaphore(%run_scoped3A : memref<!tpu.dma_semaphore, #tpu.memory_space<semaphore_mem>>) src(%dma_wait3A_39 : memref<512xi32, #tpu.memory_space<hbm>>) dst(%arg7 : memref<512xi32, #tpu.memory_space<vmem>>)
      tpu.yield
    }) : () -> ()
    tpu.enqueue_dma source(%arg3 : memref<6144xi32, #tpu.memory_space<hbm>>) target(%arg9 : memref<6144xi32, #tpu.memory_space<vmem>>) target_semaphore(%arg12 : memref<!tpu.dma_semaphore, #tpu.memory_space<semaphore_mem>>)
    %iota3A = tpu.iota {dimensions = array<i32: 0>} : vector<16xi32>
    %parallel_loop3A = arith.constant 0 : i32
    %parallel_loop3A_1 = arith.constant 192 : i32
    %parallel_loop3A_2 = arith.constant 1 : i32
    scf.for %parallel_loop3A_28 = %parallel_loop3A to %parallel_loop3A_1 step %parallel_loop3A_2  : i32 {
      %parallel_loop3A_29 = arith.constant 16 : i32
      %parallel_loop3A_30 = arith.muli %parallel_loop3A_28, %parallel_loop3A_29 : i32
      %parallel_loop3A_31 = vector.broadcast %parallel_loop3A_30 : i32 to vector<16xi32>
      %parallel_loop3A_32 = arith.addi %parallel_loop3A_31, %iota3A : vector<16xi32>
      %parallel_loop3A_33 = arith.constant 6 : i32
      %parallel_loop3A_34 = vector.broadcast %parallel_loop3A_33 : i32 to vector<16xi32>
      %parallel_loop3A_35 = arith.divsi %parallel_loop3A_32, %parallel_loop3A_34 : vector<16xi32>
      %parallel_loop3A_36 = arith.constant 0 : i32
      %parallel_loop3A_37 = vector.broadcast %parallel_loop3A_36 : i32 to vector<16xi32>
      %parallel_loop3A_38 = arith.cmpi sgt, %parallel_loop3A_32, %parallel_loop3A_37 : vector<16xi32>
      %parallel_loop3A_39 = arith.extui %parallel_loop3A_38 : vector<16xi1> to vector<16xi32>
      %parallel_loop3A_40 = arith.constant 0 : i32
      %parallel_loop3A_41 = vector.broadcast %parallel_loop3A_40 : i32 to vector<16xi32>
      %parallel_loop3A_42 = arith.cmpi slt, %parallel_loop3A_32, %parallel_loop3A_41 : vector<16xi32>
      %parallel_loop3A_43 = arith.extui %parallel_loop3A_42 : vector<16xi1> to vector<16xi32>
      %parallel_loop3A_44 = arith.subi %parallel_loop3A_39, %parallel_loop3A_43 : vector<16xi32>
      %parallel_loop3A_45 = arith.constant 0 : i32
      %parallel_loop3A_46 = arith.cmpi sgt, %parallel_loop3A_33, %parallel_loop3A_45 : i32
      %parallel_loop3A_47 = arith.extui %parallel_loop3A_46 : i1 to i32
      %parallel_loop3A_48 = arith.constant 0 : i32
      %parallel_loop3A_49 = arith.cmpi slt, %parallel_loop3A_33, %parallel_loop3A_48 : i32
      %parallel_loop3A_50 = arith.extui %parallel_loop3A_49 : i1 to i32
      %parallel_loop3A_51 = arith.subi %parallel_loop3A_47, %parallel_loop3A_50 : i32
      %parallel_loop3A_52 = vector.broadcast %parallel_loop3A_51 : i32 to vector<16xi32>
      %parallel_loop3A_53 = arith.cmpi ne, %parallel_loop3A_44, %parallel_loop3A_52 : vector<16xi32>
      %parallel_loop3A_54 = vector.broadcast %parallel_loop3A_33 : i32 to vector<16xi32>
      %parallel_loop3A_55 = arith.remsi %parallel_loop3A_32, %parallel_loop3A_54 : vector<16xi32>
      %parallel_loop3A_56 = arith.constant 0 : i32
      %parallel_loop3A_57 = vector.broadcast %parallel_loop3A_56 : i32 to vector<16xi32>
      %parallel_loop3A_58 = arith.cmpi ne, %parallel_loop3A_55, %parallel_loop3A_57 : vector<16xi32>
      %parallel_loop3A_59 = arith.andi %parallel_loop3A_53, %parallel_loop3A_58 : vector<16xi1>
      %parallel_loop3A_60 = arith.constant 1 : i32
      %parallel_loop3A_61 = vector.broadcast %parallel_loop3A_60 : i32 to vector<16xi32>
      %parallel_loop3A_62 = arith.subi %parallel_loop3A_35, %parallel_loop3A_61 : vector<16xi32>
      %parallel_loop3A_63 = arith.select %parallel_loop3A_59, %parallel_loop3A_62, %parallel_loop3A_35 : vector<16xi1>, vector<16xi32>
      %parallel_loop3A_64 = arith.constant 6 : i32
      %parallel_loop3A_65 = vector.broadcast %parallel_loop3A_64 : i32 to vector<16xi32>
      %parallel_loop3A_66 = arith.muli %parallel_loop3A_63, %parallel_loop3A_65 : vector<16xi32>
      %parallel_loop3A_67 = arith.subi %parallel_loop3A_32, %parallel_loop3A_66 : vector<16xi32>
      %parallel_loop3A_68 = tpu.vector_load_idx %arg7[%parallel_loop3A_63] : memref<512xi32, #tpu.memory_space<vmem>>[vector<16xi32>], vector<16xi32>,
      %parallel_loop3A_69 = arith.constant 6 : i32
      %parallel_loop3A_70 = vector.broadcast %parallel_loop3A_69 : i32 to vector<16xi32>
      %parallel_loop3A_71 = arith.muli %parallel_loop3A_68, %parallel_loop3A_70 : vector<16xi32>
      %parallel_loop3A_72 = arith.addi %parallel_loop3A_71, %parallel_loop3A_67 : vector<16xi32>
      %parallel_loop3A_73 = arith.constant 16 : i32
      %parallel_loop3A_74 = arith.muli %parallel_loop3A_28, %parallel_loop3A_73 : i32
      %parallel_loop3A_75 = arith.index_cast %parallel_loop3A_74 : i32 to index
      %parallel_loop3A_76 = tpu.vector_load %arg8[%parallel_loop3A_75] {strides = array<i32>} : memref<3072xi32, #tpu.memory_space<vmem>>, vector<16xi32>,
      tpu.vector_store %arg8[%parallel_loop3A_75], %parallel_loop3A_72 {strides = array<i32>} : memref<3072xi32, #tpu.memory_space<vmem>>, vector<16xi32>,
    } {sc.loop_unroll_factor = 8 : i64, sc.parallel_access}
    %dma_start3A = arith.constant 0 : i32
    %dma_start3A_3 = tpu.memref_slice %arg10[%dma_start3A] : memref<6144xf32, #tpu.memory_space<vmem>> -> memref<3072xf32, #tpu.memory_space<vmem>>
    %dma_start3A_4 = arith.constant 0 : i32
    %dma_start3A_5 = tpu.memref_slice %arg8[%dma_start3A_4] : memref<3072xi32, #tpu.memory_space<vmem>> -> memref<3072xi32, #tpu.memory_space<vmem>>
    %dma_start3A_6 = arith.constant 0 : i32
    %dma_start3A_7 = tpu.memref_slice %arg4[%dma_start3A_6] : memref<600000xf32, #tpu.memory_space<hbm>> -> memref<600000xf32, #tpu.memory_space<hbm>>
    tpu.enqueue_indirect_dma source(%dma_start3A_7 : memref<600000xf32, #tpu.memory_space<hbm>>) target(%dma_start3A_3 : memref<3072xf32, #tpu.memory_space<vmem>>) offsets(%dma_start3A_5 : memref<3072xi32, #tpu.memory_space<vmem>>) semaphore(%arg12 : memref<!tpu.dma_semaphore, #tpu.memory_space<semaphore_mem>>)
    %dma_start3A_8 = arith.constant 3072 : i32
    %dma_start3A_9 = tpu.memref_slice %arg10[%dma_start3A_8] : memref<6144xf32, #tpu.memory_space<vmem>> -> memref<3072xf32, #tpu.memory_space<vmem>>
    %dma_start3A_10 = arith.constant 0 : i32
    %dma_start3A_11 = tpu.memref_slice %arg8[%dma_start3A_10] : memref<3072xi32, #tpu.memory_space<vmem>> -> memref<3072xi32, #tpu.memory_space<vmem>>
    %dma_start3A_12 = arith.constant 0 : i32
    %dma_start3A_13 = tpu.memref_slice %arg5[%dma_start3A_12] : memref<600000xf32, #tpu.memory_space<hbm>> -> memref<600000xf32, #tpu.memory_space<hbm>>
    tpu.enqueue_indirect_dma source(%dma_start3A_13 : memref<600000xf32, #tpu.memory_space<hbm>>) target(%dma_start3A_9 : memref<3072xf32, #tpu.memory_space<vmem>>) offsets(%dma_start3A_11 : memref<3072xi32, #tpu.memory_space<vmem>>) semaphore(%arg12 : memref<!tpu.dma_semaphore, #tpu.memory_space<semaphore_mem>>)
    tpu.wait_dma2 semaphore(%arg12 : memref<!tpu.dma_semaphore, #tpu.memory_space<semaphore_mem>>) src(%arg3 : memref<6144xi32, #tpu.memory_space<hbm>>) dst(%arg9 : memref<6144xi32, #tpu.memory_space<vmem>>)
    %dma_wait3A = arith.constant 0 : i32
    %dma_wait3A_14 = tpu.memref_slice %arg10[%dma_wait3A] : memref<6144xf32, #tpu.memory_space<vmem>> -> memref<3072xf32, #tpu.memory_space<vmem>>
    %dma_wait3A_15 = arith.constant 0 : i32
    %dma_wait3A_16 = tpu.memref_slice %arg8[%dma_wait3A_15] : memref<3072xi32, #tpu.memory_space<vmem>> -> memref<3072xi32, #tpu.memory_space<vmem>>
    %dma_wait3A_17 = arith.constant 0 : i32
    %dma_wait3A_18 = tpu.memref_slice %arg4[%dma_wait3A_17] : memref<600000xf32, #tpu.memory_space<hbm>> -> memref<600000xf32, #tpu.memory_space<hbm>>
    tpu.wait_indirect_dma semaphore(%arg12 : memref<!tpu.dma_semaphore, #tpu.memory_space<semaphore_mem>>) src(%dma_wait3A_18 : memref<600000xf32, #tpu.memory_space<hbm>>) dst(%dma_wait3A_14 : memref<3072xf32, #tpu.memory_space<vmem>>)
    %dma_wait3A_19 = arith.constant 3072 : i32
    %dma_wait3A_20 = tpu.memref_slice %arg10[%dma_wait3A_19] : memref<6144xf32, #tpu.memory_space<vmem>> -> memref<3072xf32, #tpu.memory_space<vmem>>
    %dma_wait3A_21 = arith.constant 0 : i32
    %dma_wait3A_22 = tpu.memref_slice %arg8[%dma_wait3A_21] : memref<3072xi32, #tpu.memory_space<vmem>> -> memref<3072xi32, #tpu.memory_space<vmem>>
    %dma_wait3A_23 = arith.constant 0 : i32
    %dma_wait3A_24 = tpu.memref_slice %arg5[%dma_wait3A_23] : memref<600000xf32, #tpu.memory_space<hbm>> -> memref<600000xf32, #tpu.memory_space<hbm>>
    tpu.wait_indirect_dma semaphore(%arg12 : memref<!tpu.dma_semaphore, #tpu.memory_space<semaphore_mem>>) src(%dma_wait3A_24 : memref<600000xf32, #tpu.memory_space<hbm>>) dst(%dma_wait3A_20 : memref<3072xf32, #tpu.memory_space<vmem>>)
    %parallel_loop3A_25 = arith.constant 0 : i32
    %parallel_loop3A_26 = arith.constant 384 : i32
    %parallel_loop3A_27 = arith.constant 1 : i32
    scf.for %parallel_loop3A_28 = %parallel_loop3A_25 to %parallel_loop3A_26 step %parallel_loop3A_27  : i32 {
      %parallel_loop3A_29 = arith.constant 16 : i32
      %parallel_loop3A_30 = arith.muli %parallel_loop3A_28, %parallel_loop3A_29 : i32
      %parallel_loop3A_31 = arith.index_cast %parallel_loop3A_30 : i32 to index
      %parallel_loop3A_32 = tpu.vector_load %arg9[%parallel_loop3A_31] {strides = array<i32>} : memref<6144xi32, #tpu.memory_space<vmem>>, vector<16xi32>,
      %parallel_loop3A_33 = tpu.vector_load_idx %arg10[%parallel_loop3A_32] : memref<6144xf32, #tpu.memory_space<vmem>>[vector<16xi32>], vector<16xf32>,
      %parallel_loop3A_34 = arith.index_cast %parallel_loop3A_30 : i32 to index
      %parallel_loop3A_35 = tpu.vector_load %arg11[%parallel_loop3A_34] {strides = array<i32>} : memref<6144xf32, #tpu.memory_space<vmem>>, vector<16xf32>,
      tpu.vector_store %arg11[%parallel_loop3A_34], %parallel_loop3A_33 {strides = array<i32>} : memref<6144xf32, #tpu.memory_space<vmem>>, vector<16xf32>,
    } {sc.loop_unroll_factor = 8 : i64, sc.parallel_access}
    "tpu.region"() ({
      %run_scoped3A = tpu.sem_alloc : memref<!tpu.dma_semaphore, #tpu.memory_space<semaphore_mem>>
      %dma_start3A_28 = arith.constant 0 : i32
      %dma_start3A_29 = tpu.memref_slice %arg6[%add3A, %dma_start3A_28] : memref<32x6144xf32, #tpu.memory_space<hbm>> -> memref<1x6144xf32, #tpu.memory_space<hbm>>
      %dma_start3A_30 = tpu.memref_squeeze %dma_start3A_29 : memref<1x6144xf32, #tpu.memory_space<hbm>> -> memref<6144xf32, #tpu.memory_space<hbm>>
      %dma_start3A_31 = arith.constant 0 : i32
      %dma_start3A_32 = tpu.memref_slice %arg6[%add3A, %dma_start3A_31] : memref<32x6144xf32, #tpu.memory_space<hbm>> -> memref<1x6144xf32, #tpu.memory_space<hbm>>
      %dma_start3A_33 = tpu.memref_squeeze %dma_start3A_32 : memref<1x6144xf32, #tpu.memory_space<hbm>> -> memref<6144xf32, #tpu.memory_space<hbm>>
      tpu.enqueue_dma source(%arg11 : memref<6144xf32, #tpu.memory_space<vmem>>) target(%dma_start3A_33 : memref<6144xf32, #tpu.memory_space<hbm>>) target_semaphore(%run_scoped3A : memref<!tpu.dma_semaphore, #tpu.memory_space<semaphore_mem>>)
      %dma_wait3A_34 = arith.constant 0 : i32
      %dma_wait3A_35 = tpu.memref_slice %arg6[%add3A, %dma_wait3A_34] : memref<32x6144xf32, #tpu.memory_space<hbm>> -> memref<1x6144xf32, #tpu.memory_space<hbm>>
      %dma_wait3A_36 = tpu.memref_squeeze %dma_wait3A_35 : memref<1x6144xf32, #tpu.memory_space<hbm>> -> memref<6144xf32, #tpu.memory_space<hbm>>
      %dma_wait3A_37 = arith.constant 0 : i32
      %dma_wait3A_38 = tpu.memref_slice %arg6[%add3A, %dma_wait3A_37] : memref<32x6144xf32, #tpu.memory_space<hbm>> -> memref<1x6144xf32, #tpu.memory_space<hbm>>
      %dma_wait3A_39 = tpu.memref_squeeze %dma_wait3A_38 : memref<1x6144xf32, #tpu.memory_space<hbm>> -> memref<6144xf32, #tpu.memory_space<hbm>>
      tpu.wait_dma2 semaphore(%run_scoped3A : memref<!tpu.dma_semaphore, #tpu.memory_space<semaphore_mem>>) src(%arg11 : memref<6144xf32, #tpu.memory_space<vmem>>) dst(%dma_wait3A_39 : memref<6144xf32, #tpu.memory_space<hbm>>)
      tpu.yield
    }) : () -> ()
    return
  }
}

</mosaic_0001>

<sc_bundles>
// kernel: kernel.3.cloned.1.call-start
scs
__scs_entry_jumppad:
0x0: {  	(pc) =	sbr.rel $0x88, $3  }
0x1: {  	(tag) =	ssettag $0x0;
	lr =	simm.s32 $0x1  }
0x2: {  	[smem:$0x3F9E] =	sst lr;
	_ =	strace $0xD0000000  }
0x3: {  	_ = 	snop  }
0x4: {  	_ = 	snop  }
0x5: {  	_ = 	snop  }
0x6: {  	_ = 	snop  }
0x7: {  	_ = 	snop  }
__scs_overlays_trampoline_lowered:
0x8: {  	[smem:$0x3FAD] =	sst s0  }
0x9: {  	[smem:$0x3FAE] =	sst s1  }
0xa: {  	[smem:$0x3FAF] =	sst s2  }
0xb: {  	[smem:$0x3FB0] =	sst s3  }
0xc: {  	[smem:$0x3FB1] =	sst s4  }
0xd: {  	[smem:$0x3FB2] =	sst s5  }
0xe: {  	[smem:$0x3FB3] =	sst s6  }
0xf: {  	[smem:$0x3FB4] =	sst s7  }
0x10: {  	[smem:$0x3FB5] =	sst s8  }
0x11: {  	[smem:$0x3FB6] =	sst s9;
	s0 =	simm.s32 @!p0 $0x0  }
0x12: {  	s1 =	sld [smem:$0x3F9C];
	s0 =	simm.s32 @p0 $0x1  }
0x13: {  	[smem:$0x3FB7] =	sst s0;
	s0 =	simm.s32 @!p1 $0x0  }
0x14: {  	s2 =	sld [smem:$0x3F9B];
	s0 =	simm.s32 @p1 $0x1  }
0x15: {  	[smem:$0x3FB8] =	sst s0;
	s0 =	simm.s32 @!p2 $0x0  }
0x16: {  	s3 =	sld [smem:$0x3FDB];
	s0 =	simm.s32 @p2 $0x1  }
0x17: {  	s4 =	simm.s32 $0x1BF5;
	[smem:$0x3FBA] =	sst s0  }
0x18: {  	s0 =	sld [smem:$0x3F9D];
	_ =	swait.ge [sflag:s4], $0x0  }
0x19: {  	s7 =	sld [smem:$0x3F9E]  }
0x1a: {  	s8 =	sadd.s32 $0xFFFFE003, lr  }
0x1b: {  	s9 =	sadd.s32 $0xFFFFFEF7, lr;
	s5 =	simm.s32 $0xFFFFFFFF;
	p2 =	slt.u32 s8, $0xFFFFF086  }
0x1c: {  	p1 =	slt.u32 s9, $0xF7A;
	s5 =	simm.s32 @!p2 $0x0  }
0x1d: {  	s5 =	simm.s32 @p1 $0x1;
	p0 =	seq.s32 s7, s2  }
0x1e: {  	s7 =	smul.u32 @!p0 $0xF7A, s2;
	p2 =	seq.s32 @!p0 s5, $0x0  }
0x1f: {  	s9 =	smul.u32 $0xF7A, s1;
	s8 =	simm.s32 @!p0 $0x1BF5;
	p2 =	por !p2, p0  }
0x20: {  	[sflag:s8] =	ssyncset.s32 @!p0 $0xFFFFF086;
	s6 =	sadd.s32 @!p0 s3, s7;
	s7 =	simm.s32 @!p0 $0x108  }
0x21: {  	s3 =	sadd.s32 s3, s9;
	s6 =	sadd.s32 @!p0 $0x88, s6;
	s7 =	simm.s32 @p2 $0x1082  }
0x22: {  	[simem:s7], [sflag:s8] =	dma.local @!p0 [hbm:s6], $0xF7A  }
0x23: {  	s9 =	sor.u32 $0xD0000000, s2;
	s6 =	simm.s32 $0x108;
	_ =	swait.ge @!p0 [sflag:s8], $0x0  }
0x24: {  	s3 =	sadd.s32 $0x88, s3;
	s6 =	simm.s32 @!p1 $0x1082;
	[sflag:s4] =	ssyncset.s32 $0xFFFFF086  }
0x25: {  	[simem:s6], [sflag:s4] =	dma.local [hbm:s3], $0xF7A  }
0x26: {  	[smem:$0x3F9E] =	sst s1;
	(tag) =	ssettag s2;
	_ =	strace s9  }
0x27: {  	s1 =	sld [smem:$0x3FAE]  }
0x28: {  	s2 =	sld [smem:$0x3FAF]  }
0x29: {  	s4 =	sld [smem:$0x3FB1]  }
0x2a: {  	p0 =	seq.s32 s5, $0x0;
	s5 =	sld [smem:$0x3FB2]  }
0x2b: {  	s6 =	sld [smem:$0x3FB3]  }
0x2c: {  	s7 =	sld [smem:$0x3FB4]  }
0x2d: {  	s3 =	simm.s32 $0x108;
	s8 =	sld [smem:$0x3FB5]  }
0x2e: {  	s3 =	simm.s32 @!p0 $0x1082;
	s9 =	sld [smem:$0x3FB6]  }
0x2f: {  	lr =	sadd.s32 s0, s3;
	s0 =	sld [smem:$0x3FAD]  }
0x30: {  	s3 =	sld [smem:$0x3FB0]  }
0x31: {  	[smem:$0x3FB9] =	sst s10  }
0x32: {  	s10 =	sld [smem:$0x3FB7];
	_ =	sdelay $0x3  }
0x33: {  	p0 =	seq.s32 s10, $0x1;
	s10 =	sld [smem:$0x3FB9];
	_ =	sdelay $0x3  }
0x34: {  	[smem:$0x3FB9] =	sst s10  }
0x35: {  	s10 =	sld [smem:$0x3FB8];
	_ =	sdelay $0x3  }
0x36: {  	p1 =	seq.s32 s10, $0x1;
	s10 =	sld [smem:$0x3FB9];
	_ =	sdelay $0x3  }
0x37: {  	[smem:$0x3FB9] =	sst s10  }
0x38: {  	s10 =	sld [smem:$0x3FBA]  }
0x39: {  	_ = 	snop;
	(pc) =	sbr.ind lr, $3  }
0x3a: {  	_ = 	snop  }
0x3b: {  	_ = 	snop  }
0x3c: {  	p2 =	seq.s32 s10, $0x1;
	s10 =	sld [smem:$0x3FB9]  }
0x3d: {  	_ =	shalt  }
0x3e: {  	_ =	shalt  }
0x3f: {  	_ =	shalt  }
0x40: {  	_ =	shalt  }
0x41: {  	_ =	shalt  }
0x42: {  	_ =	shalt  }
0x43: {  	_ =	shalt  }
0x44: {  	_ =	shalt  }
0x45: {  	_ =	shalt  }
0x46: {  	_ =	shalt  }
0x47: {  	_ =	shalt  }
0x48: {  	_ =	shalt  }
0x49: {  	_ =	shalt  }
0x4a: {  	_ =	shalt  }
0x4b: {  	_ =	shalt  }
0x4c: {  	_ =	shalt  }
0x4d: {  	_ =	shalt  }
0x4e: {  	_ =	shalt  }
0x4f: {  	_ =	shalt  }
0x50: {  	_ =	shalt  }
0x51: {  	_ =	shalt  }
0x52: {  	_ =	shalt  }
0x53: {  	_ =	shalt  }
0x54: {  	_ =	shalt  }
0x55: {  	_ =	shalt  }
0x56: {  	_ =	shalt  }
0x57: {  	_ =	shalt  }
0x58: {  	_ =	shalt  }
0x59: {  	_ =	shalt  }
0x5a: {  	_ =	shalt  }
0x5b: {  	_ =	shalt  }
0x5c: {  	_ =	shalt  }
0x5d: {  	_ =	shalt  }
0x5e: {  	_ =	shalt  }
0x5f: {  	_ =	shalt  }
0x60: {  	_ =	shalt  }
0x61: {  	_ =	shalt  }
0x62: {  	_ =	shalt  }
0x63: {  	_ =	shalt  }
0x64: {  	_ =	shalt  }
0x65: {  	_ =	shalt  }
0x66: {  	_ =	shalt  }
0x67: {  	_ =	shalt  }
0x68: {  	_ =	shalt  }
0x69: {  	_ =	shalt  }
0x6a: {  	_ =	shalt  }
0x6b: {  	_ =	shalt  }
0x6c: {  	_ =	shalt  }
0x6d: {  	_ =	shalt  }
0x6e: {  	_ =	shalt  }
0x6f: {  	_ =	shalt  }
0x70: {  	_ =	shalt  }
0x71: {  	_ =	shalt  }
0x72: {  	_ =	shalt  }
0x73: {  	_ =	shalt  }
0x74: {  	_ =	shalt  }
0x75: {  	_ =	shalt  }
0x76: {  	_ =	shalt  }
0x77: {  	_ =	shalt  }
0x78: {  	_ =	shalt  }
0x79: {  	_ =	shalt  }
0x7a: {  	_ =	shalt  }
0x7b: {  	_ =	shalt  }
0x7c: {  	_ =	shalt  }
0x7d: {  	_ =	shalt  }
0x7e: {  	_ =	shalt  }
0x7f: {  	_ =	shalt  }
0x80: {  	_ =	shalt  }
0x81: {  	_ =	shalt  }
0x82: {  	_ =	shalt  }
0x83: {  	_ =	shalt  }
0x84: {  	_ =	shalt  }
0x85: {  	_ =	shalt  }
0x86: {  	_ =	shalt  }
0x87: {  	_ =	shalt  }
.Lfunc_end0:
.L_simem_size_0:
called_computation_lowered:
.L_overlay_start_0:
0x88: {  	s2 =	sld [smem:$0x3FD9]  }
0x89: {  	s3 =	sld [smem:$0x3FFE];
	_ =	sdelay $0x1  }
0x8a: {  	s1 =	srdreg.scid  }
0x8b: {  	s0 =	sand.u32 $0x1, s1  }
0x8c: {  	s17 =	sshll.u32 s0, $0xA;
	s2 =	sadd.s32 s3, s2  }
0x8d: {  	s2 =	sadd.s32 s2, s17  }
0x8e: {  	[smem:$0x3FC5] =	sst s2  }
0x8f: {  	_ = 	snop  }
0x90: {  	s2 =	sld [smem:$0x3FC9]  }
0x91: {  	s18 =	sld [smem:$0x3FD0];
	(tm) =	ssettm $0x1  }
0x92: {  	s4 =	sld [smem:$0x3FFB];
	_ =	sdelay $0x3  }
0x93: {  	_ =	strace s4  }
0x94: {  	s4 =	sld [smem:$0x3FFC];
	_ =	sdelay $0x3  }
0x95: {  	_ =	strace s4  }
0x96: {  	s4 =	sld [smem:$0x3FFD];
	_ =	sdelay $0x3  }
0x97: {  	_ =	strace s4  }
0x98: {  	_ =	strace $0x8FFFFFFF  }
0x99: {  	s19 =	sld [smem:$0x3FDB];
	_ =	sdelay $0x1  }
0x9a: {  	s5 =	simm.s32 $_scs_section_size  }
0x9b: {  	s6 =	simm.s32 $_size__tile_overlayer_lowered;
	s7 =	simm.s32 $_tile_overlayer_lowered  }
0x9c: {  	s22 =	simm.s32 $0x1BFF;
	s21 =	sshll.u32 s7, $0x1;
	s4 =	sadd.s32 s5, s19  }
0x9d: {  	s8 =	simm.s32 $0x0;
	s20 =	sshll.u32 s6, $0x1;
	s6 =	sadd.s32 s21, s4  }
0x9e: {  	[timem:s8], [sflag:s22] =	dma.local [hbm:s6], s20  }
0x9f: {  	_ =	swait.ge [sflag:s22], s20  }
0xa0: {  	s5 =	ssub.s32 $0x0, s20;
	[sflag:s22] =	ssyncset.done $0x0  }
0xa1: {  	[sflag:s22] =	ssyncadd.s32 s5;
	_ =	sdelay $0x1  }
0xa2: {  	s23 =	simm.s32 $0x1B8B  }
0xa3: {  	_ =	swait.ge [sflag:s23], $0x1  }
0xa4: {  	[sflag:s23] =	ssyncset.done $0x0  }
0xa5: {  	s25 =	simm.s32 $0x1B8E;
	s24 =	sld [smem:$0x3FFE];
	[sflag:s23] =	ssyncadd.s32 $0xFFFFFFFF  }
0xa6: {  	s26 =	simm.s32 $execute0_lowered;
	[smem:$0x3FD2] =	sst s25  }
0xa7: {  	s6 =	sshll.u32 s26, $0x1;
	_ =	strace $0x80000046;
	[dreg:$0x1] =	wrdreg $0xFFFFFFFF  }
0xa8: {  	s28 =	simm.s32 $_size_execute0_lowered;
	s4 =	sadd.s32 s4, s6;
	[dreg:$0x0] =	wrdreg $0x0  }
0xa9: {  	s6 =	sshll.u32 s28, $0x1;
	[dreg:$0x2] =	wrdreg s4  }
0xaa: {  	[dreg:$0x3] =	wrdreg s6  }
0xab: {  	[dreg:$0x4] =	wrdreg $0xC0  }
0xac: {  	_ =	task [dreg:s8], $0x5FFFF  }
0xad: {  	[dreg:$0x1] =	wrdreg $0xFFFFFFFF  }
0xae: {  	[dreg:$0x0] =	wrdreg $0x60  }
0xaf: {  	[dreg:$0x2] =	wrdreg s2  }
0xb0: {  	[dreg:$0x3] =	wrdreg s24  }
0xb1: {  	[dreg:$0x4] =	wrdreg s18  }
0xb2: {  	[dreg:$0x5] =	wrdreg $0x9  }
0xb3: {  	_ =	task.clear_ibuf [dreg:s8], $0x6FFFF;
	_ =	strace $0x90000046  }
0xb4: {  	s29 =	simm.s32 $0x9;
	_ =	strace $0x80000048  }
0xb5: {  	_ =	swait.ge [sflag:s29], $0x1  }
0xb6: {  	[sflag:s29] =	ssyncadd.s32 $0xFFFFFFFF  }
0xb7: {  	_ =	strace $0x90000048  }
0xb8: {  	_ =	sfence  }
0xb9: {  	s30 =	sld [smem:$0x0];
	_ =	sdelay $0x2  }
0xba: {  	s31 =	sshll.u32 s1, $0xD;
	s1 =	sshrl.u32 s1, $0x2  }
0xbb: {  	s3 =	sand.u32 $0x4000, s31;
	s1 =	sadd.s32 s1, s30  }
0xbc: {  	s0 =	sor.u32 s3, s0;
	s1 =	sshll.u32 s1, $0x11  }
0xbd: {  	s0 =	sor.u32 s1, s0  }
0xbe: {  	s0 =	sadd.s32 $0x8F2B, s0  }
0xbf: {  	[sflag:s0] =	ssyncadd.remote.s32 $0x1  }
0xc0: {  	_ =	sfence.sel $0xFFFF  }
0xc1: {  	[dreg:$0x0] =	wrdreg $0xFFFFFFFF;
	(pc) =	sbr.abs _section_cstart, $3  }
0xc2: {  	[dreg:$0x1] =	wrdreg $0xFFFFFFFF  }
0xc3: {  	_ =	task.clear_ibuf [dreg:s8], $0x2FFFF;
	_ =	strace $0x9FFFFFFF  }
0xc4: {  	(tm) =	ssettm $0x7FFFFFFF  }
0xc5: {  	_ =	shalt  }
tec
execute0_lowered:
.L_overlay_start_1:
0x0: {  	(tag) =	ssettag $0x1  }
0x1: {  	s6 =	rddreg [dreg:$0x0]  }
0x2: {  	s5 =	rddreg [dreg:$0x1]  }
0x3: {  	s7 =	rddreg [dreg:$0x2]  }
0x4: {  	s0 =	rddreg [dreg:$0x3];
	s2 =	simm.s32 $0x0  }
0x5: {  	s3 =	srdreg.scid;
	s1 =	stileid.u32;
	s12 =	simm.s32 $0x200  }
0x6: {  	s13 =	simm.s32 $0x2600;
	s14 =	simm.s32 $0x3200;
	s15 =	simm.s32 $0x1  }
0x7: {  	s16 =	simm.s32 $0x3E00;
	s17 =	simm.s32 $0x0;
	[smem:$0x7FF] =	sst s2  }
0x8: {  	s4 =	sand.u32 $0x1, s3;
	s8 =	sshll.u32 s1, $0x1;
	s3 =	sadd.s32 $0x600, s5  }
0x9: {  	_ =	strace $0x80000047;
	s9 =	ssub.s32 $0x2, s4;
	s8 =	sor.u32 s4, s8  }
0xa: {  	s4 =	sadd.s32 $0x199A00, s5;
	s10 =	sshrl.u32 s9, $0x1;
	s11 =	smul.u32 $0x300, s8  }
0xb: {  	s5 =	sadd.s32 $0x187400, s5;
	s8 =	sshll.u32 s8, $0x6;
	s9 =	ssub.s32 s9, s10  }
0xc: {  	s6 =	sadd.s32 s6, s8;
	s10 =	simm.s32 $0xE00;
	s7 =	sadd.s32 s7, s11  }
0xd: {  	v0 =	vlaneseq.u32;
	v1 =	vimm.s32 $0x0;
	s8 =	smax.u32 s9, $0x1;
	s9 =	simm.s32 $0x2;
	s11 =	simm.s32 $0xC00  }
.LBB2_1:
0xe: {  	v2 =	vor.u32 s2, v0;
	s18 =	simm.s32 $0x10  }
0xf: {  	s20 =	simm.s32 $0x20;
	v3 =	vmulhi.u32 $0xAAAAAAAB, v2;
	v4 =	vor.u32 s18, v0  }
0x10: {  	s19 =	simm.s32 $0x30;
	v6 =	vor.u32 s20, v0;
	v5 =	vmulhi.u32 $0xAAAAAAAB, v4  }
0x11: {  	v9 =	vmov s2;
	s22 =	simm.s32 $0x50;
	v8 =	vor.u32 s19, v0;
	v11 =	vmulhi.u32 $0xAAAAAAAB, v6  }
0x12: {  	s24 =	simm.s32 $0x70;
	vm0 =	veq.s32 v9, v0;
	v12 =	vor.u32 s22, v0;
	v9 =	vmulhi.u32 $0xAAAAAAAB, v8  }
0x13: {  	s29 =	simm.s32 $0xC0;
	v15 =	vor.u32 s24, v0;
	v14 =	vmulhi.u32 $0xAAAAAAAB, v12  }
0x14: {  	s30 =	simm.s32 $0xD0;
	v10 =	vsub.s32 $0x0, v2;
	v54 =	vor.u32 s29, v0;
	v17 =	vmulhi.u32 $0xAAAAAAAB, v15  }
0x15: {  	s31 =	simm.s32 $0xF0;
	v55 =	vor.u32 s30, v0;
	v61 =	vmulhi.u32 $0xAAAAAAAB, v54;
	v3 =	vshrl.u32 v3, $0x2  }
0x16: {  	s25 =	simm.s32 $0x80;
	s20 =	simm.s32 $0xB0;
	v59 =	vor.u32 s31, v0;
	v29 =	vmulhi.u32 $0xAAAAAAAB, v55;
	v7 =	vmul.u32 $0xFFFFFFFA, v3  }
0x17: {  	v58 =	vmov s25;
	v53 =	vor.u32 s20, v0;
	v30 =	vmulhi.u32 $0xAAAAAAAB, v59  }
0x18: {  	vm14 =	veq.s32 v58, v0;
	v60 =	vmulhi.u32 $0xAAAAAAAB, v53;
	vm1 =	vne.s32 v7, v10  }
0x19: {  	[tilespmem:s2], [sflag:$0x2] =	stream.linear.gather [hbm4b:s6+s2], $0x200, $0x38;
	v5 =	vshrl.u32 v5, $0x2;
	v11 =	vshrl.u32 v11, $0x2;
	vm0 =	vmand vm0, vm1;
	[tilespmem:$0x5600] =	vst v63  }
0x1a: {  	_ =	swait.ge [sflag:s9], $0x200;
	v9 =	vshrl.u32 v9, $0x2;
	v14 =	vshrl.u32 v14, $0x2;
	v10 =	vsel vm0, $0xFFFFFFFF, v1  }
0x1b: {  	[sflag:s9] =	ssyncset.done $0x0;
	v17 =	vshrl.u32 v17, $0x2;
	v29 =	vshrl.u32 v29, $0x2;
	v3 =	vadd.s32 v10, v3  }
0x1c: {  	s21 =	simm.s32 $0x40;
	s23 =	simm.s32 $0x60;
	[sflag:s9] =	ssyncadd.s32 $0xFFFFFE00;
	v30 =	vshrl.u32 v30, $0x2;
	v18 =	vmul.u32 $0xFFFFFFFA, v5;
	v19 =	vmul.u32 $0xFFFFFFFA, v11  }
0x1d: {  	[tilespmem:s10], [sflag:$0x1] =	stream.linear.gather [hbm4b:s3+s2], $0x1800, $0x38;
	v20 =	vmul.u32 $0xFFFFFFFA, v9;
	v22 =	vmul.u32 $0xFFFFFFFA, v14;
	v7 =	vor.u32 s21, v0;
	[tilespmem:$0x5600] =	vst v63  }
0x1e: {  	v25 =	vmul.u32 $0xFFFFFFFA, v17;
	v13 =	vmulhi.u32 $0xAAAAAAAB, v7;
	v10 =	vor.u32 s23, v0;
	v5 =	vld.idx.msk [tilespmem:v5+s2+$0x0], $0xffff  }
0x1f: {  	v35 =	vmul.u32 $0xFFFFFFFA, v29;
	v36 =	vmul.u32 $0xFFFFFFFA, v30;
	v11 =	vld.idx.msk [tilespmem:v11+s2+$0x0], $0xffff;
	v16 =	vmulhi.u32 $0xAAAAAAAB, v10  }
0x20: {  	v4 =	vadd.s32 v4, v18;
	v6 =	vadd.s32 v6, v19;
	v8 =	vadd.s32 v8, v20;
	v23 =	vld.idx.msk [tilespmem:v3+s2+$0x0], $0xffff  }
0x21: {  	s21 =	simm.s32 $0xE0;
	v19 =	vor.u32 s25, v0;
	v16 =	vshrl.u32 v16, $0x2;
	v3 =	vmul.u32 $0xFFFFFFFA, v3  }
0x22: {  	v57 =	vor.u32 s21, v0;
	v13 =	vshrl.u32 v13, $0x2;
	v24 =	vmul.u32 $0xFFFFFFFA, v16  }
0x23: {  	v5 =	vmul.u32 $0x6, v5;
	v2 =	vadd.s32 v2, v3;
	v3 =	vmulhi.u32 $0xAAAAAAAB, v19  }
0x24: {  	v26 =	vsub.s32 $0x0, v19;
	v18 =	vadd.s32 v10, v24;
	v10 =	vmul.u32 $0x6, v11  }
0x25: {  	s26 =	simm.s32 $0x90;
	v4 =	vadd.s32 v5, v4;
	v3 =	vshrl.u32 v3, $0x2;
	v11 =	vmul.u32 $0x6, v23  }
0x26: {  	s28 =	simm.s32 $0xA0;
	v9 =	vld.idx.msk [tilespmem:v9+s2+$0x0], $0xffff;
	v5 =	vor.u32 s26, v0;
	v10 =	vadd.s32 v10, v6;
	v56 =	vmul.u32 $0xFFFFFFFA, v3  }
0x27: {  	v14 =	vld.idx.msk [tilespmem:v14+s2+$0x0], $0xffff;
	v6 =	vmulhi.u32 $0xAAAAAAAB, v5;
	v2 =	vadd.s32 v11, v2;
	v11 =	vor.u32 s28, v0  }
0x28: {  	v21 =	vmul.u32 $0xFFFFFFFA, v13;
	v13 =	vld.idx.msk [tilespmem:v13+s2+$0x0], $0xffff;
	vm15 =	vne.s32 v56, v26;
	v27 =	vmulhi.u32 $0xAAAAAAAB, v11  }
0x29: {  	v62 =	vmulhi.u32 $0xAAAAAAAB, v57;
	v6 =	vshrl.u32 v6, $0x2;
	vm0 =	vmand vm14, vm15  }
0x2a: {  	v12 =	vadd.s32 v12, v22;
	v28 =	vsel vm0, $0xFFFFFFFF, v1;
	v27 =	vshrl.u32 v27, $0x2  }
0x2b: {  	v15 =	vadd.s32 v15, v25;
	v25 =	vshrl.u32 v62, $0x2;
	v16 =	vld.idx.msk [tilespmem:v16+s2+$0x0], $0xffff;
	v28 =	vadd.s32 v28, v3  }
0x2c: {  	v9 =	vmul.u32 $0x6, v9;
	v14 =	vmul.u32 $0x6, v14;
	v3 =	vld.idx.msk [tilespmem:v17+s2+$0x0], $0xffff;
	v17 =	vshrl.u32 v60, $0x2  }
0x2d: {  	v7 =	vadd.s32 v7, v21;
	v13 =	vmul.u32 $0x6, v13;
	v26 =	vshrl.u32 v61, $0x2  }
0x2e: {  	s18 =	simm.s32 $0x240;
	v8 =	vadd.s32 v9, v8;
	v9 =	vadd.s32 v14, v12;
	v31 =	vmul.u32 $0xFFFFFFFA, v6;
	v34 =	vld.idx.msk [tilespmem:v6+s2+$0x0], $0xffff  }
0x2f: {  	v7 =	vadd.s32 v13, v7;
	[tilespmem:s18+$0xFFFFFFC0] =	vst v2;
	v2 =	vmul.u32 $0xFFFFFFFA, v25;
	v32 =	vmul.u32 $0xFFFFFFFA, v27;
	v27 =	vld.idx.msk [tilespmem:v27+s2+$0x0], $0xffff  }
0x30: {  	v31 =	vadd.s32 v5, v31;
	v16 =	vmul.u32 $0x6, v16;
	v6 =	vmul.u32 $0xFFFFFFFA, v26;
	v37 =	vld.idx.msk [tilespmem:v28+s2+$0x0], $0xffff  }
0x31: {  	[tilespmem:s18+$0xFFFFFFD0] =	vst v4;
	v4 =	vadd.s32 v57, v2;
	v2 =	vadd.s32 v59, v36;
	v33 =	vmul.u32 $0xFFFFFFFA, v17;
	v17 =	vld.idx.msk [tilespmem:v17+s2+$0x0], $0xffff  }
0x32: {  	[tilespmem:s18+$0xFFFFFFF0] =	vst v8;
	v18 =	vadd.s32 v16, v18;
	v13 =	vmul.u32 $0xFFFFFFFA, v28;
	v32 =	vadd.s32 v11, v32;
	v11 =	vld.idx.msk [tilespmem:v26+s2+$0x0], $0xffff  }
0x33: {  	[tilespmem:s18+$0xFFFFFFE0] =	vst v10;
	v10 =	vld.idx.msk [tilespmem:v29+s2+$0x0], $0xffff;
	v6 =	vadd.s32 v54, v6;
	v5 =	vadd.s32 v53, v33;
	v38 =	vmul.u32 $0x6, v3  }
0x34: {  	[tilespmem:s18+$0x10] =	vst v9;
	v16 =	vadd.s32 v19, v13;
	v12 =	vmul.u32 $0x6, v34;
	v63 =	vmul.u32 $0x6, v27  }
0x35: {  	v8 =	vld.idx.msk [tilespmem:v30+s2+$0x0], $0xffff;
	[tilespmem:s18+$0x0] =	vst v7;
	v3 =	vadd.s32 v55, v35;
	v14 =	vadd.s32 v38, v15;
	v15 =	vmul.u32 $0x6, v37  }
0x36: {  	s19 =	simm.s32 $0x8;
	s20 =	simm.s32 $0x100;
	v7 =	vld.idx.msk [tilespmem:v25+s2+$0x0], $0xffff;
	[tilespmem:s18+$0x20] =	vst v18;
	v12 =	vadd.s32 v12, v31;
	v9 =	vmul.u32 $0x6, v17;
	v13 =	vadd.s32 v63, v32  }
.LBB2_2:
0x37: {  	v17 =	vor.u32 s20, v0;
	s21 =	sadd.s32 $0x10, s20;
	s19 =	sadd.s32 $0x8, s19;
	v15 =	vadd.s32 v15, v16;
	v16 =	vmul.u32 $0x6, v11;
	[tilespmem:s18+$0x30] =	vst v14;
	s18 =	sadd.s32 $0x80, s18  }
0x38: {  	s22 =	sadd.s32 $0x30, s20;
	v11 =	vmulhi.u32 $0xAAAAAAAB, v17;
	v14 =	vor.u32 s21, v0;
	s21 =	sadd.s32 $0x20, s20;
	p0 =	slt.u32 s19, $0xB8;
	[tilespmem:s18+$0xFFFFFFC0] =	vst v15;
	v15 =	vmul.u32 $0x6, v10  }
0x39: {  	s23 =	sadd.s32 $0x60, s20;
	v19 =	vor.u32 s22, v0;
	s22 =	sadd.s32 $0x50, s20;
	v10 =	vmulhi.u32 $0xAAAAAAAB, v14;
	v18 =	vor.u32 s21, v0;
	s21 =	sadd.s32 $0x40, s20;
	[tilespmem:s18+$0xFFFFFFD0] =	vst v12  }
0x3a: {  	v20 =	vor.u32 s22, v0;
	v11 =	vshrl.u32 v11, $0x2;
	v12 =	vor.u32 s21, v0;
	s21 =	sadd.s32 $0x70, s20;
	[tilespmem:s18+$0xFFFFFFE0] =	vst v13  }
0x3b: {  	v21 =	vor.u32 s23, v0;
	v13 =	vmul.u32 $0xFFFFFFFA, v11;
	v22 =	vor.u32 s21, v0  }
0x3c: {  	v23 =	vmov s20;
	v24 =	vsub.s32 $0x0, v17;
	v25 =	vmulhi.u32 $0xAAAAAAAB, v18  }
0x3d: {  	vm0 =	veq.s32 v23, v0;
	vm1 =	vne.s32 v13, v24;
	v13 =	vmulhi.u32 $0xAAAAAAAB, v19  }
0x3e: {  	v10 =	vshrl.u32 v10, $0x2;
	v23 =	vmulhi.u32 $0xAAAAAAAB, v12;
	vm0 =	vmand vm0, vm1  }
0x3f: {  	v26 =	vmulhi.u32 $0xAAAAAAAB, v20;
	v25 =	vshrl.u32 v25, $0x2;
	v24 =	vsel vm0, $0xFFFFFFFF, v1  }
0x40: {  	v24 =	vadd.s32 v24, v11;
	v11 =	vshrl.u32 v13, $0x2;
	v13 =	vmulhi.u32 $0xAAAAAAAB, v21  }
0x41: {  	v26 =	vshrl.u32 v26, $0x2;
	v27 =	vmulhi.u32 $0xAAAAAAAB, v22;
	v23 =	vshrl.u32 v23, $0x2  }
0x42: {  	v28 =	vmul.u32 $0xFFFFFFFA, v10;
	v29 =	vmul.u32 $0xFFFFFFFA, v25;
	v13 =	vshrl.u32 v13, $0x2  }
0x43: {  	v31 =	vmul.u32 $0xFFFFFFFA, v23;
	v27 =	vshrl.u32 v27, $0x2;
	v30 =	vld.idx.msk [tilespmem:v10+s2+$0x0], $0xffff;
	v10 =	vmul.u32 $0xFFFFFFFA, v11  }
0x44: {  	v32 =	vmul.u32 $0xFFFFFFFA, v26;
	v34 =	vmul.u32 $0xFFFFFFFA, v27;
	v33 =	vmul.u32 $0xFFFFFFFA, v13;
	v25 =	vld.idx.msk [tilespmem:v25+s2+$0x0], $0xffff  }
0x45: {  	v8 =	vmul.u32 $0x6, v8;
	v28 =	vadd.s32 v14, v28;
	v14 =	vmul.u32 $0x6, v7;
	v35 =	vld.idx.msk [tilespmem:v24+s2+$0x0], $0xffff  }
0x46: {  	v18 =	vadd.s32 v18, v29;
	v12 =	vadd.s32 v12, v31;
	v19 =	vadd.s32 v19, v10;
	v29 =	vld.idx.msk [tilespmem:v11+s2+$0x0], $0xffff  }
0x47: {  	v20 =	vadd.s32 v20, v32;
	v22 =	vadd.s32 v22, v34;
	v21 =	vadd.s32 v21, v33;
	v11 =	vld.idx.msk [tilespmem:v23+s2+$0x0], $0xffff  }
.Ltmp0:
0x48: {  	v31 =	vadd.s32 v16, v6;
	v10 =	vld.idx.msk [tilespmem:v26+s2+$0x0], $0xffff;
	v26 =	vadd.s32 v9, v5;
	v9 =	vadd.s32 v15, v3;
	(pc) =	sbr.rel @p0 .LBB2_2-.Ltmp0, $4  }
0x49: {  	v23 =	vadd.s32 v14, v4;
	v14 =	vadd.s32 v8, v2;
	v16 =	vmul.u32 $0x6, v30;
	v7 =	vld.idx.msk [tilespmem:v13+s2+$0x0], $0xffff;
	[tilespmem:s18+$0xFFFFFFF0] =	vst v26  }
0x4a: {  	v6 =	vmovc v12;
	v5 =	vmovc v19;
	v3 =	vmov v20;
	v13 =	vmul.u32 $0xFFFFFFFA, v24;
	v24 =	vmul.u32 $0x6, v25;
	v8 =	vld.idx.msk [tilespmem:v27+s2+$0x0], $0xffff;
	[tilespmem:s18+$0x0] =	vst v31  }
0x4b: {  	v4 =	vmovc v21;
	v2 =	vmov v22;
	v15 =	vmul.u32 $0x6, v35;
	v12 =	vadd.s32 v16, v28;
	[tilespmem:s18+$0x10] =	vst v9  }
0x4c: {  	s20 =	sadd.s32 $0x80, s20;
	v16 =	vadd.s32 v17, v13;
	v13 =	vadd.s32 v24, v18;
	v9 =	vmul.u32 $0x6, v29;
	[tilespmem:s18+$0x20] =	vst v23  }
0x4d: {  	v15 =	vadd.s32 v15, v16;
	[tilespmem:s18+$0x30] =	vst v14;
	s30 =	sadd.s32 $0x80, s18  }
0x4e: {  	[tilespmem:s30+$0xFFFFFFC0] =	vst v15  }
0x4f: {  	v11 =	vmul.u32 $0x6, v11;
	[tilespmem:s30+$0xFFFFFFD0] =	vst v12  }
0x50: {  	v10 =	vmul.u32 $0x6, v10;
	[tilespmem:s30+$0xFFFFFFE0] =	vst v13;
	v5 =	vadd.s32 v9, v5  }
0x51: {  	v7 =	vmul.u32 $0x6, v7;
	v6 =	vadd.s32 v11, v6;
	[tilespmem:s30+$0xFFFFFFF0] =	vst v5  }
0x52: {  	v5 =	vmul.u32 $0x6, v8;
	v3 =	vadd.s32 v10, v3;
	[tilespmem:s30+$0x0] =	vst v6  }
0x53: {  	v4 =	vadd.s32 v7, v4;
	[tilespmem:s30+$0x10] =	vst v3  }
0x54: {  	v2 =	vadd.s32 v5, v2;
	[tilespmem:s30+$0x20] =	vst v4  }
0x55: {  	[tilespmem:s30+$0x30] =	vst v2  }
0x56: {  	[tilespmem:s13], [sflag:$0x1] =	stream.indirect.gather [hbm4b:s4+s11], $0x1, s12, s11, $0xb8;
	[tilespmem:$0x5600] =	vst v63  }
0x57: {  	_ = 	snop  }
0x58: {  	[tilespmem:s14], [sflag:$0x1] =	stream.indirect.gather [hbm4b:s5+s11], $0x1, s12, s11, $0xb8;
	[tilespmem:$0x5600] =	vst v63  }
0x59: {  	_ =	swait.ge [sflag:s15], $0x1800  }
0x5a: {  	[sflag:s15] =	ssyncset.done $0x0  }
0x5b: {  	[sflag:s15] =	ssyncadd.s32 $0xFFFFE800  }
0x5c: {  	_ =	swait.ge [sflag:s15], $0xC00  }
0x5d: {  	[sflag:s15] =	ssyncset.done $0x0  }
0x5e: {  	[sflag:s15] =	ssyncadd.s32 $0xFFFFF400  }
0x5f: {  	_ =	swait.ge [sflag:s15], $0xC00  }
0x60: {  	[sflag:s15] =	ssyncset.done $0x0  }
0x61: {  	s31 =	simm.s32 $0xE40;
	[sflag:s15] =	ssyncadd.s32 $0xFFFFF400  }
0x62: {  	v2 =	vld [tilespmem:s31+$0x30]  }
0x63: {  	v3 =	vld [tilespmem:s31+$0xFFFFFFD0]  }
0x64: {  	v4 =	vld [tilespmem:s31+$0xFFFFFFE0]  }
0x65: {  	v5 =	vld [tilespmem:s31+$0xFFFFFFF0]  }
0x66: {  	v6 =	vld [tilespmem:s31+$0x0]  }
0x67: {  	v8 =	vld [tilespmem:s31+$0x10]  }
0x68: {  	v60 =	vld [tilespmem:s31+$0x20]  }
0x69: {  	v61 =	vld [tilespmem:s31+$0xFFFFFFC0]  }
0x6a: {  	v62 =	vld.idx.msk [tilespmem:v2+s13+$0x0], $0xffff  }
0x6b: {  	v63 =	vld.idx.msk [tilespmem:v3+s13+$0x0], $0xffff  }
0x6c: {  	v7 =	vld.idx.msk [tilespmem:v4+s13+$0x0], $0xffff  }
0x6d: {  	v5 =	vld.idx.msk [tilespmem:v5+s13+$0x0], $0xffff  }
0x6e: {  	v2 =	vld.idx.msk [tilespmem:v6+s13+$0x0], $0xffff  }
0x6f: {  	s18 =	simm.s32 $0x3E40;
	v3 =	vld.idx.msk [tilespmem:v8+s13+$0x0], $0xffff  }
0x70: {  	v4 =	vld.idx.msk [tilespmem:v60+s13+$0x0], $0xffff;
	[tilespmem:s18+$0x30] =	vst v62  }
0x71: {  	s19 =	simm.s32 $0x0;
	s20 =	simm.s32 $0xEC0;
	v6 =	vld.idx.msk [tilespmem:v61+s13+$0x0], $0xffff;
	[tilespmem:s18+$0xFFFFFFD0] =	vst v63  }
.LBB2_4:
0x72: {  	v8 =	vld [tilespmem:s20+$0x30];
	s19 =	sadd.s32 $0x8, s19;
	[tilespmem:s18+$0xFFFFFFE0] =	vst v7  }
0x73: {  	v7 =	vld [tilespmem:s20+$0xFFFFFFD0];
	p0 =	slt.u32 s19, $0x178;
	[tilespmem:s18+$0xFFFFFFF0] =	vst v5  }
0x74: {  	v5 =	vld [tilespmem:s20+$0xFFFFFFE0];
	[tilespmem:s18+$0x0] =	vst v2  }
0x75: {  	v2 =	vld [tilespmem:s20+$0xFFFFFFF0];
	[tilespmem:s18+$0x10] =	vst v3  }
0x76: {  	v3 =	vld [tilespmem:s20+$0x0];
	[tilespmem:s18+$0x20] =	vst v4  }
0x77: {  	v4 =	vld [tilespmem:s20+$0x10];
	[tilespmem:s18+$0xFFFFFFC0] =	vst v6  }
0x78: {  	v6 =	vld [tilespmem:s20+$0x20]  }
0x79: {  	v9 =	vld [tilespmem:s20+$0xFFFFFFC0]  }
0x7a: {  	v8 =	vld.idx.msk [tilespmem:v8+s13+$0x0], $0xffff  }
0x7b: {  	v10 =	vld.idx.msk [tilespmem:v7+s13+$0x0], $0xffff  }
0x7c: {  	v7 =	vld.idx.msk [tilespmem:v5+s13+$0x0], $0xffff  }
.Ltmp1:
0x7d: {  	v5 =	vld.idx.msk [tilespmem:v2+s13+$0x0], $0xffff;
	(pc) =	sbr.rel @p0 .LBB2_4-.Ltmp1, $4  }
0x7e: {  	v2 =	vld.idx.msk [tilespmem:v3+s13+$0x0], $0xffff  }
0x7f: {  	s18 =	sadd.s32 $0x80, s18;
	v3 =	vld.idx.msk [tilespmem:v4+s13+$0x0], $0xffff  }
0x80: {  	v4 =	vld.idx.msk [tilespmem:v6+s13+$0x0], $0xffff;
	[tilespmem:s18+$0x30] =	vst v8  }
0x81: {  	s20 =	sadd.s32 $0x80, s20;
	v6 =	vld.idx.msk [tilespmem:v9+s13+$0x0], $0xffff;
	[tilespmem:s18+$0xFFFFFFD0] =	vst v10  }
0x82: {  	[tilespmem:s18+$0xFFFFFFE0] =	vst v7  }
0x83: {  	[tilespmem:s18+$0xFFFFFFF0] =	vst v5  }
0x84: {  	[tilespmem:s18+$0x0] =	vst v2  }
0x85: {  	s17 =	sadd.s32 $0x1, s17;
	[tilespmem:s18+$0x10] =	vst v3  }
0x86: {  	p0 =	sne.s32 s17, s8;
	[tilespmem:s18+$0x20] =	vst v4  }
.Ltmp2:
0x87: {  	[tilespmem:s18+$0xFFFFFFC0] =	vst v6;
	(pc) =	sbr.rel @p0 .LBB2_1-.Ltmp2, $4  }
0x88: {  	[hbm4b:s7+s2] =	stream.linear.scatter [tilespmem:s16], [sflag:$0x2], $0x1800, $0x38;
	[tilespmem:$0x5600] =	vst v63  }
0x89: {  	_ =	swait.ge [sflag:s9], $0x1800  }
0x8a: {  	[sflag:s9] =	ssyncset.done $0x0  }
0x8b: {  	[sflag:s9] =	ssyncadd.s32 $0xFFFFE800  }
0x8c: {  	_ =	sfence.sel $0x180000  }
0x8d: {  	[bflag:$0x0] =	sbarrier.arrive $0xFFFF  }
0x8e: {  	p0 =	sne.s32 s1, $0x0;
	_ =	strace $0x90000047  }
0x8f: {  	s0 =	sadd.s32 @!p0 $0x100000, s0;
	[bflag:$0x2] =	sbarrier.arrive $0xFFFF  }
0x90: {  	[sflag:s0] =	ssyncadd.tile.s32 @!p0 $0x1;
	_ =	shalt  }
.Lfunc_end2:
_tile_overlayer_lowered:
.L_overlay_start_2:
0x91: {  	(tag) =	ssettag $0x2  }
0x92: {  	s0 =	rddreg [dreg:$0x0];
	s2 =	stileid.u32  }
0x93: {  	s1 =	rddreg [dreg:$0x1];
	p0 =	sne.s32 s2, $0x0  }
0x94: {  	s3 =	rddreg [dreg:$0x2];
	[bflag:$0x3] =	sbarrier.arrive $0xFFFF;
	s2 =	simm.s32 @!p0 $0x1C02  }
0x95: {  	[timem:s3], [sflag:s2] =	dma.local @!p0 [hbm:s0], s1  }
0x96: {  	s0 =	simm.s32 @!p0 $0x2  }
0x97: {  	_ =	swait.ge @!p0 [sflag:s0], s1  }
0x98: {  	s1 =	ssub.s32 @!p0 $0x0, s1;
	[sflag:s0] =	ssyncset.done @!p0 $0x0  }
0x99: {  	[sflag:s0] =	ssyncadd.s32 @!p0 s1  }
0x9a: {  	[bflag:$0x3] =	sbarrier.arrive $0xFFFF  }
0x9b: {  	_ =	shalt  }

</sc_bundles>
